<compile_context>
chip_gen: v7x
topology: tpu7x:2x2x1
jax: 0.10.2.dev20260603
libtpu: 0.0.44.dev20260713+nightly
codegen_flags: <defaults>
</compile_context>

<pallas_src>
import functools

import jax
import jax.numpy as jnp
from jax import lax
from jax.experimental import pallas as pl
from jax.experimental.pallas import tpu as pltpu
from jax.experimental.pallas import tpu_sc as plsc

BATCH = 16384
D = 32
V = 1000001
NC = 2
NS = 16
NW = NC * NS
BPW = BATCH // NW

_PACK_BLK = 8192
_PACK_GRID = (V + _PACK_BLK - 1) // _PACK_BLK

_mesh = plsc.VectorSubcoreMesh(core_axis_name="c", subcore_axis_name="s")


def _pack_body(gu_ref, gi_ref, mu_ref, mi_ref, out_ref):
    r = lax.broadcasted_iota(jnp.int32, (4 * D, 4 * D), 0)
    c = lax.broadcasted_iota(jnp.int32, (4 * D, 4 * D), 1)
    eye = jnp.where(r == c, 1.0, 0.0).astype(jnp.float32)
    xcat = jnp.concatenate(
        [gu_ref[...], gi_ref[...], mu_ref[...], mi_ref[...]], axis=0)
    out_ref[...] = lax.dot_general(xcat, eye, (((0,), (0,)), ((), ())),
                                   preferred_element_type=jnp.float32)


def _pack_call(gu_t, gi_t, mu_t, mi_t):
    return pl.pallas_call(
        _pack_body,
        grid=(_PACK_GRID,),
        in_specs=[pl.BlockSpec((D, _PACK_BLK), lambda i: (0, i))] * 4,
        out_specs=pl.BlockSpec((_PACK_BLK, 4 * D), lambda i: (i, 0)),
        out_shape=jax.ShapeDtypeStruct((V, 4 * D), jnp.float32),
    )(gu_t, gi_t, mu_t, mi_t)


@functools.partial(
    pl.kernel,
    mesh=_mesh,
    compiler_params=pltpu.CompilerParams(use_tc_tiling_on_sc=True),
    out_type=(
        jax.ShapeDtypeStruct((BATCH, 4 * D), jnp.float32),
        jax.ShapeDtypeStruct((BATCH, 4 * D), jnp.float32),
    ),
    scratch_types=[
        pltpu.VMEM((BPW,), jnp.int32),
        pltpu.VMEM((BPW, 4 * D), jnp.float32),
        pltpu.SemaphoreType.DMA,
    ],
)
def _sc_gather(comb, uid_hbm, iid_hbm, u_out, i_out, idx_v, rows_v, sem):
    wid = lax.axis_index("s") * NC + lax.axis_index("c")
    base = wid * BPW
    pltpu.sync_copy(uid_hbm.at[pl.ds(base, BPW)], idx_v)
    pltpu.async_copy(comb.at[idx_v], rows_v, sem).wait()
    pltpu.sync_copy(rows_v, u_out.at[pl.ds(base, BPW)])
    pltpu.sync_copy(iid_hbm.at[pl.ds(base, BPW)], idx_v)
    pltpu.async_copy(comb.at[idx_v], rows_v, sem).wait()
    pltpu.sync_copy(rows_v, i_out.at[pl.ds(base, BPW)])


def _leaky(x):
    return jnp.where(x >= 0, x, 0.01 * x)


def _mlp_body(u_ref, i_ref, w0u_ref, w0i_ref, b0_ref,
              w1_ref, b1_ref, w2_ref, b2_ref, wg_ref, wh_ref, out_ref):
    p_mf = u_ref[:, 0:D]
    q_mf = i_ref[:, D:2 * D]
    p_mlp = u_ref[:, 2 * D:3 * D]
    q_mlp = i_ref[:, 3 * D:4 * D]
    h = jnp.dot(p_mlp, w0u_ref[...], preferred_element_type=jnp.float32)
    h = h + jnp.dot(q_mlp, w0i_ref[...], preferred_element_type=jnp.float32)
    h = _leaky(h + b0_ref[...])
    h = _leaky(jnp.dot(h, w1_ref[...], preferred_element_type=jnp.float32) + b1_ref[...])
    h = _leaky(jnp.dot(h, w2_ref[...], preferred_element_type=jnp.float32) + b2_ref[...])
    gmf = p_mf * q_mf
    out = jnp.dot(gmf, wg_ref[...], preferred_element_type=jnp.float32)
    out = out + jnp.dot(h, wh_ref[...], preferred_element_type=jnp.float32)
    out_ref[...] = out


_BLK = 2048


def _mlp_call(u_rows, i_rows, w0u, w0i, b0, w1t, b1, w2t, b2, wg, wh):
    grid = (BATCH // _BLK,)
    full = lambda shape: pl.BlockSpec(shape, lambda i: (0, 0))
    return pl.pallas_call(
        _mlp_body,
        grid=grid,
        in_specs=[
            pl.BlockSpec((_BLK, 4 * D), lambda i: (i, 0)),
            pl.BlockSpec((_BLK, 4 * D), lambda i: (i, 0)),
            full((D, 128)),
            full((D, 128)),
            full((1, 128)),
            full((128, 64)),
            full((1, 64)),
            full((64, 32)),
            full((1, 32)),
            full((D, 1)),
            full((32, 1)),
        ],
        out_specs=pl.BlockSpec((_BLK, 1), lambda i: (i, 0)),
        out_shape=jax.ShapeDtypeStruct((BATCH, 1), jnp.float32),
    )(u_rows, i_rows, w0u, w0i, b0, w1t, b1, w2t, b2, wg, wh)


def kernel(user_id, item_id, gmf_user, gmf_item, mlp_user, mlp_item,
           W0, b0, W1, b1, W2, b2, Wout):
    comb = _pack_call(gmf_user.T, gmf_item.T, mlp_user.T, mlp_item.T)
    u_rows, i_rows = _sc_gather(comb,
                                user_id.astype(jnp.int32),
                                item_id.astype(jnp.int32))
    return _mlp_call(u_rows, i_rows,
                     W0[:, :D].T, W0[:, D:].T, b0.reshape(1, -1),
                     W1.T, b1.reshape(1, -1), W2.T, b2.reshape(1, -1),
                     Wout[:, :D].T, Wout[:, D:].T)

# --- scband reference (transcript-rebuilt; emitter-appended) ---
"""Pipeline reference for scband-neu-mf-45827301048390 (READ-ONLY COPY).

The authoritative reference and input builder live on the scoring server;
editing this copy changes nothing except your own understanding.
"""

import jax, jax.numpy as jnp
import numpy as np

NUM_USERS = 1000000
NUM_ITEMS = 1000000
EMBED_DIM = 32
HIDDEN = [128, 64, 32]
BATCH = 16384


def setup_inputs(seed: int = 0) -> dict:
    key = jax.random.key(seed)
    ks = jax.random.split(key, 16)
    user_id = jax.random.randint(ks[0], (BATCH,), 0, NUM_USERS, dtype=jnp.int64 if jax.config.jax_enable_x64 else jnp.int32)
    item_id = jax.random.randint(ks[1], (BATCH,), 0, NUM_ITEMS, dtype=jnp.int64 if jax.config.jax_enable_x64 else jnp.int32)
    s = 0.05
    gmf_user = jax.random.normal(ks[2], (NUM_USERS + 1, EMBED_DIM), dtype=jnp.float32) * s
    gmf_item = jax.random.normal(ks[3], (NUM_ITEMS + 1, EMBED_DIM), dtype=jnp.float32) * s
    mlp_user = jax.random.normal(ks[4], (NUM_USERS + 1, EMBED_DIM), dtype=jnp.float32) * s
    mlp_item = jax.random.normal(ks[5], (NUM_ITEMS + 1, EMBED_DIM), dtype=jnp.float32) * s
    W0 = jax.random.normal(ks[6], (HIDDEN[0], EMBED_DIM * 2), dtype=jnp.float32) * (1.0 / np.sqrt(EMBED_DIM * 2))
    b0 = jnp.zeros((HIDDEN[0],), dtype=jnp.float32)
    W1 = jax.random.normal(ks[7], (HIDDEN[1], HIDDEN[0]), dtype=jnp.float32) * (1.0 / np.sqrt(HIDDEN[0]))
    b1 = jnp.zeros((HIDDEN[1],), dtype=jnp.float32)
    W2 = jax.random.normal(ks[8], (HIDDEN[2], HIDDEN[1]), dtype=jnp.float32) * (1.0 / np.sqrt(HIDDEN[1]))
    b2 = jnp.zeros((HIDDEN[2],), dtype=jnp.float32)
    Wout = jax.random.normal(ks[9], (1, HIDDEN[2] + EMBED_DIM), dtype=jnp.float32) * (1.0 / np.sqrt(HIDDEN[2] + EMBED_DIM))
    return {
        "user_id": user_id,
        "item_id": item_id,
        "gmf_user": gmf_user,
        "gmf_item": gmf_item,
        "mlp_user": mlp_user,
        "mlp_item": mlp_item,
        "W0": W0, "b0": b0,
        "W1": W1, "b1": b1,
        "W2": W2, "b2": b2,
        "Wout": Wout,
    }


def _leaky_relu(x):
    return jnp.where(x >= 0, x, 0.01 * x)


def reference(user_id, item_id, gmf_user, gmf_item, mlp_user, mlp_item,
              W0, b0, W1, b1, W2, b2, Wout):
    # GMF branch: elementwise product of user/item embeddings
    p_mf = jnp.take(gmf_user, user_id, axis=0)
    q_mf = jnp.take(gmf_item, item_id, axis=0)
    gmf = p_mf * q_mf
    # MLP branch: concat user/item embeddings, pass through MLP with LeakyReLU
    p_mlp = jnp.take(mlp_user, user_id, axis=0)
    q_mlp = jnp.take(mlp_item, item_id, axis=0)
    h = jnp.concatenate([p_mlp, q_mlp], axis=-1)
    h = _leaky_relu(h @ W0.T + b0)
    h = _leaky_relu(h @ W1.T + b1)
    h = _leaky_relu(h @ W2.T + b2)
    # Final output layer (no bias); sigmoid NOT applied in forward
    out = jnp.concatenate([gmf, h], axis=-1) @ Wout.T
    return out

if __name__ == "__main__":
    import jax
    _d = setup_inputs()
    print(jax.jit(kernel)(*tuple(_d.values())))

</pallas_src>

<mosaic_0001>
#map = affine_map<(d0, d1) -> (0, 0)>
#map1 = affine_map<(d0, d1) -> (0)>
module attributes {stable_mosaic.version = 14 : i64} {
  func.func @_sc_gather(%arg0: i32, %arg1: i32, %arg2: memref<1000001x128xf32, #tpu.memory_space<hbm>>, %arg3: memref<16384xi32, #tpu.memory_space<hbm>>, %arg4: memref<16384xi32, #tpu.memory_space<hbm>>, %arg5: memref<16384x128xf32, #tpu.memory_space<hbm>>, %arg6: memref<16384x128xf32, #tpu.memory_space<hbm>>, %arg7: memref<512xi32, #tpu.memory_space<vmem>>, %arg8: memref<512x128xf32, #tpu.memory_space<vmem>>, %arg9: memref<!tpu.dma_semaphore, #tpu.memory_space<semaphore_mem>>) attributes {dimension_semantics = [#tpu.dimension_semantics<core_parallel>, #tpu.dimension_semantics<subcore_parallel>], iteration_bounds = array<i64: 2, 16>, scalar_prefetch = 0 : i64, scratch_operands = 3 : i64, tpu.core_type = #tpu.core_type<sc_vector_subcore>, window_params = [{transform_indices = #map}, {transform_indices = #map1}, {transform_indices = #map1}, {transform_indices = #map}, {transform_indices = #map}]} {
    %mul3A = arith.constant 2 : i32
    %mul3A_0 = arith.muli %arg1, %mul3A : i32
    %add3A = arith.addi %mul3A_0, %arg0 : i32
    %mul3A_1 = arith.constant 512 : i32
    %mul3A_2 = arith.muli %add3A, %mul3A_1 : i32
    "tpu.region"() ({
      %run_scoped3A = tpu.sem_alloc : memref<!tpu.dma_semaphore, #tpu.memory_space<semaphore_mem>>
      %dma_start3A_13 = tpu.memref_slice %arg3[%mul3A_2] : memref<16384xi32, #tpu.memory_space<hbm>> -> memref<512xi32, #tpu.memory_space<hbm>>
      %dma_start3A_14 = tpu.memref_slice %arg3[%mul3A_2] : memref<16384xi32, #tpu.memory_space<hbm>> -> memref<512xi32, #tpu.memory_space<hbm>>
      tpu.enqueue_dma source(%dma_start3A_14 : memref<512xi32, #tpu.memory_space<hbm>>) target(%arg7 : memref<512xi32, #tpu.memory_space<vmem>>) target_semaphore(%run_scoped3A : memref<!tpu.dma_semaphore, #tpu.memory_space<semaphore_mem>>)
      %dma_wait3A_15 = tpu.memref_slice %arg3[%mul3A_2] : memref<16384xi32, #tpu.memory_space<hbm>> -> memref<512xi32, #tpu.memory_space<hbm>>
      %dma_wait3A_16 = tpu.memref_slice %arg3[%mul3A_2] : memref<16384xi32, #tpu.memory_space<hbm>> -> memref<512xi32, #tpu.memory_space<hbm>>
      tpu.wait_dma2 semaphore(%run_scoped3A : memref<!tpu.dma_semaphore, #tpu.memory_space<semaphore_mem>>) src(%dma_wait3A_16 : memref<512xi32, #tpu.memory_space<hbm>>) dst(%arg7 : memref<512xi32, #tpu.memory_space<vmem>>)
      tpu.yield
    }) : () -> ()
    %dma_start3A = arith.constant 0 : i32
    %dma_start3A_3 = arith.constant 0 : i32
    %dma_start3A_4 = tpu.memref_slice %arg2[%dma_start3A, %dma_start3A_3] : memref<1000001x128xf32, #tpu.memory_space<hbm>> -> memref<1000001x128xf32, #tpu.memory_space<hbm>>
    tpu.enqueue_indirect_dma source(%dma_start3A_4 : memref<1000001x128xf32, #tpu.memory_space<hbm>>) target(%arg8 : memref<512x128xf32, #tpu.memory_space<vmem>>) offsets(%arg7 : memref<512xi32, #tpu.memory_space<vmem>>) semaphore(%arg9 : memref<!tpu.dma_semaphore, #tpu.memory_space<semaphore_mem>>)
    %dma_wait3A = arith.constant 0 : i32
    %dma_wait3A_5 = arith.constant 0 : i32
    %dma_wait3A_6 = tpu.memref_slice %arg2[%dma_wait3A, %dma_wait3A_5] : memref<1000001x128xf32, #tpu.memory_space<hbm>> -> memref<1000001x128xf32, #tpu.memory_space<hbm>>
    tpu.wait_indirect_dma semaphore(%arg9 : memref<!tpu.dma_semaphore, #tpu.memory_space<semaphore_mem>>) src(%dma_wait3A_6 : memref<1000001x128xf32, #tpu.memory_space<hbm>>) dst(%arg8 : memref<512x128xf32, #tpu.memory_space<vmem>>)
    "tpu.region"() ({
      %run_scoped3A = tpu.sem_alloc : memref<!tpu.dma_semaphore, #tpu.memory_space<semaphore_mem>>
      %dma_start3A_13 = arith.constant 0 : i32
      %dma_start3A_14 = tpu.memref_slice %arg5[%mul3A_2, %dma_start3A_13] : memref<16384x128xf32, #tpu.memory_space<hbm>> -> memref<512x128xf32, #tpu.memory_space<hbm>>
      %dma_start3A_15 = arith.constant 0 : i32
      %dma_start3A_16 = tpu.memref_slice %arg5[%mul3A_2, %dma_start3A_15] : memref<16384x128xf32, #tpu.memory_space<hbm>> -> memref<512x128xf32, #tpu.memory_space<hbm>>
      tpu.enqueue_dma source(%arg8 : memref<512x128xf32, #tpu.memory_space<vmem>>) target(%dma_start3A_16 : memref<512x128xf32, #tpu.memory_space<hbm>>) target_semaphore(%run_scoped3A : memref<!tpu.dma_semaphore, #tpu.memory_space<semaphore_mem>>)
      %dma_wait3A_17 = arith.constant 0 : i32
      %dma_wait3A_18 = tpu.memref_slice %arg5[%mul3A_2, %dma_wait3A_17] : memref<16384x128xf32, #tpu.memory_space<hbm>> -> memref<512x128xf32, #tpu.memory_space<hbm>>
      %dma_wait3A_19 = arith.constant 0 : i32
      %dma_wait3A_20 = tpu.memref_slice %arg5[%mul3A_2, %dma_wait3A_19] : memref<16384x128xf32, #tpu.memory_space<hbm>> -> memref<512x128xf32, #tpu.memory_space<hbm>>
      tpu.wait_dma2 semaphore(%run_scoped3A : memref<!tpu.dma_semaphore, #tpu.memory_space<semaphore_mem>>) src(%arg8 : memref<512x128xf32, #tpu.memory_space<vmem>>) dst(%dma_wait3A_20 : memref<512x128xf32, #tpu.memory_space<hbm>>)
      tpu.yield
    }) : () -> ()
    "tpu.region"() ({
      %run_scoped3A = tpu.sem_alloc : memref<!tpu.dma_semaphore, #tpu.memory_space<semaphore_mem>>
      %dma_start3A_13 = tpu.memref_slice %arg4[%mul3A_2] : memref<16384xi32, #tpu.memory_space<hbm>> -> memref<512xi32, #tpu.memory_space<hbm>>
      %dma_start3A_14 = tpu.memref_slice %arg4[%mul3A_2] : memref<16384xi32, #tpu.memory_space<hbm>> -> memref<512xi32, #tpu.memory_space<hbm>>
      tpu.enqueue_dma source(%dma_start3A_14 : memref<512xi32, #tpu.memory_space<hbm>>) target(%arg7 : memref<512xi32, #tpu.memory_space<vmem>>) target_semaphore(%run_scoped3A : memref<!tpu.dma_semaphore, #tpu.memory_space<semaphore_mem>>)
      %dma_wait3A_15 = tpu.memref_slice %arg4[%mul3A_2] : memref<16384xi32, #tpu.memory_space<hbm>> -> memref<512xi32, #tpu.memory_space<hbm>>
      %dma_wait3A_16 = tpu.memref_slice %arg4[%mul3A_2] : memref<16384xi32, #tpu.memory_space<hbm>> -> memref<512xi32, #tpu.memory_space<hbm>>
      tpu.wait_dma2 semaphore(%run_scoped3A : memref<!tpu.dma_semaphore, #tpu.memory_space<semaphore_mem>>) src(%dma_wait3A_16 : memref<512xi32, #tpu.memory_space<hbm>>) dst(%arg7 : memref<512xi32, #tpu.memory_space<vmem>>)
      tpu.yield
    }) : () -> ()
    %dma_start3A_7 = arith.constant 0 : i32
    %dma_start3A_8 = arith.constant 0 : i32
    %dma_start3A_9 = tpu.memref_slice %arg2[%dma_start3A_7, %dma_start3A_8] : memref<1000001x128xf32, #tpu.memory_space<hbm>> -> memref<1000001x128xf32, #tpu.memory_space<hbm>>
    tpu.enqueue_indirect_dma source(%dma_start3A_9 : memref<1000001x128xf32, #tpu.memory_space<hbm>>) target(%arg8 : memref<512x128xf32, #tpu.memory_space<vmem>>) offsets(%arg7 : memref<512xi32, #tpu.memory_space<vmem>>) semaphore(%arg9 : memref<!tpu.dma_semaphore, #tpu.memory_space<semaphore_mem>>)
    %dma_wait3A_10 = arith.constant 0 : i32
    %dma_wait3A_11 = arith.constant 0 : i32
    %dma_wait3A_12 = tpu.memref_slice %arg2[%dma_wait3A_10, %dma_wait3A_11] : memref<1000001x128xf32, #tpu.memory_space<hbm>> -> memref<1000001x128xf32, #tpu.memory_space<hbm>>
    tpu.wait_indirect_dma semaphore(%arg9 : memref<!tpu.dma_semaphore, #tpu.memory_space<semaphore_mem>>) src(%dma_wait3A_12 : memref<1000001x128xf32, #tpu.memory_space<hbm>>) dst(%arg8 : memref<512x128xf32, #tpu.memory_space<vmem>>)
    "tpu.region"() ({
      %run_scoped3A = tpu.sem_alloc : memref<!tpu.dma_semaphore, #tpu.memory_space<semaphore_mem>>
      %dma_start3A_13 = arith.constant 0 : i32
      %dma_start3A_14 = tpu.memref_slice %arg6[%mul3A_2, %dma_start3A_13] : memref<16384x128xf32, #tpu.memory_space<hbm>> -> memref<512x128xf32, #tpu.memory_space<hbm>>
      %dma_start3A_15 = arith.constant 0 : i32
      %dma_start3A_16 = tpu.memref_slice %arg6[%mul3A_2, %dma_start3A_15] : memref<16384x128xf32, #tpu.memory_space<hbm>> -> memref<512x128xf32, #tpu.memory_space<hbm>>
      tpu.enqueue_dma source(%arg8 : memref<512x128xf32, #tpu.memory_space<vmem>>) target(%dma_start3A_16 : memref<512x128xf32, #tpu.memory_space<hbm>>) target_semaphore(%run_scoped3A : memref<!tpu.dma_semaphore, #tpu.memory_space<semaphore_mem>>)
      %dma_wait3A_17 = arith.constant 0 : i32
      %dma_wait3A_18 = tpu.memref_slice %arg6[%mul3A_2, %dma_wait3A_17] : memref<16384x128xf32, #tpu.memory_space<hbm>> -> memref<512x128xf32, #tpu.memory_space<hbm>>
      %dma_wait3A_19 = arith.constant 0 : i32
      %dma_wait3A_20 = tpu.memref_slice %arg6[%mul3A_2, %dma_wait3A_19] : memref<16384x128xf32, #tpu.memory_space<hbm>> -> memref<512x128xf32, #tpu.memory_space<hbm>>
      tpu.wait_dma2 semaphore(%run_scoped3A : memref<!tpu.dma_semaphore, #tpu.memory_space<semaphore_mem>>) src(%arg8 : memref<512x128xf32, #tpu.memory_space<vmem>>) dst(%dma_wait3A_20 : memref<512x128xf32, #tpu.memory_space<hbm>>)
      tpu.yield
    }) : () -> ()
    return
  }
}

module attributes {stable_mosaic.version = 14 : i64} {
  func.func @_pack_body(%arg0: i32, %arg1: memref<32x8192xf32, #tpu.memory_space<vmem>>, %arg2: memref<32x8192xf32, #tpu.memory_space<vmem>>, %arg3: memref<32x8192xf32, #tpu.memory_space<vmem>>, %arg4: memref<32x8192xf32, #tpu.memory_space<vmem>>, %arg5: memref<8192x128xf32, #tpu.memory_space<vmem>>) attributes {dimension_semantics = [#tpu.dimension_semantics<arbitrary>], iteration_bounds = array<i64: 123>, scalar_prefetch = 0 : i64, scratch_operands = 0 : i64, tpu.core_type = #tpu.core_type<tc>, window_params = [{transform_indices = @transform_0, window_bounds = array<i64: 32, 8192>}, {transform_indices = @transform_1, window_bounds = array<i64: 32, 8192>}, {transform_indices = @transform_2, window_bounds = array<i64: 32, 8192>}, {transform_indices = @transform_3, window_bounds = array<i64: 32, 8192>}, {transform_indices = @transform_4, window_bounds = array<i64: 8192, 128>}]} {
    %iota3A = tpu.iota {dimensions = array<i32: 0>} : vector<128x128xi32>
    %iota3A_0 = tpu.iota {dimensions = array<i32: 1>} : vector<128x128xi32>
    %eq3A = arith.cmpi eq, %iota3A, %iota3A_0 : vector<128x128xi32>
    %jit3A = arith.constant 1.000000e+00 : f32
    %jit3A_1 = arith.constant 0.000000e+00 : f32
    %broadcast_in_dim3A = vector.broadcast %jit3A : f32 to vector<128x128xf32>
    %broadcast_in_dim3A_2 = vector.broadcast %jit3A_1 : f32 to vector<128x128xf32>
    %select_n3A = arith.select %eq3A, %broadcast_in_dim3A, %broadcast_in_dim3A_2 : vector<128x128xi1>, vector<128x128xf32>
    %get3A = arith.constant 0 : index
    %get3A_3 = arith.constant 0 : index
    %get3A_4 = vector.load %arg1[%get3A, %get3A_3] : memref<32x8192xf32, #tpu.memory_space<vmem>>, vector<32x8192xf32>
    %get3A_5 = arith.constant 0 : index
    %get3A_6 = arith.constant 0 : index
    %get3A_7 = vector.load %arg2[%get3A_5, %get3A_6] : memref<32x8192xf32, #tpu.memory_space<vmem>>, vector<32x8192xf32>
    %get3A_8 = arith.constant 0 : index
    %get3A_9 = arith.constant 0 : index
    %get3A_10 = vector.load %arg3[%get3A_8, %get3A_9] : memref<32x8192xf32, #tpu.memory_space<vmem>>, vector<32x8192xf32>
    %get3A_11 = arith.constant 0 : index
    %get3A_12 = arith.constant 0 : index
    %get3A_13 = vector.load %arg4[%get3A_11, %get3A_12] : memref<32x8192xf32, #tpu.memory_space<vmem>>, vector<32x8192xf32>
    %concatenate3A = tpu.concatenate %get3A_4, %get3A_7, %get3A_10, %get3A_13 in 0 : vector<32x8192xf32>, vector<32x8192xf32>, vector<32x8192xf32>, vector<32x8192xf32> -> vector<128x8192xf32>
    %dot_general3A = arith.constant dense<0.000000e+00> : vector<8192x128xf32>
    %dot_general3A_14 = tpu.matmul %concatenate3A, %select_n3A, %dot_general3A {dimension_numbers = #tpu.dot_dimension_numbers<[0], [0], [1], [1], [0, 1, 1, 1], [], []>, transpose_lhs_hint = false} : vector<128x8192xf32>, vector<128x128xf32>, vector<8192x128xf32> -> vector<8192x128xf32>
    %swap3A = arith.constant 0 : index
    %swap3A_15 = arith.constant 0 : index
    %swap3A_16 = vector.load %arg5[%swap3A, %swap3A_15] : memref<8192x128xf32, #tpu.memory_space<vmem>>, vector<8192x128xf32>
    tpu.vector_store %arg5[%swap3A, %swap3A_15], %dot_general3A_14 {strides = array<i32>} : memref<8192x128xf32, #tpu.memory_space<vmem>>, vector<8192x128xf32>,
    return
  }
  func.func @transform_0(%arg0: i32) -> (i32, i32) {
    %c0_i32 = arith.constant 0 : i32
    %c0_i32_0 = arith.constant 0 : i32
    return %c0_i32, %arg0 : i32, i32
  }
  func.func @transform_1(%arg0: i32) -> (i32, i32) {
    %c0_i32 = arith.constant 0 : i32
    %c0_i32_0 = arith.constant 0 : i32
    return %c0_i32, %arg0 : i32, i32
  }
  func.func @transform_2(%arg0: i32) -> (i32, i32) {
    %c0_i32 = arith.constant 0 : i32
    %c0_i32_0 = arith.constant 0 : i32
    return %c0_i32, %arg0 : i32, i32
  }
  func.func @transform_3(%arg0: i32) -> (i32, i32) {
    %c0_i32 = arith.constant 0 : i32
    %c0_i32_0 = arith.constant 0 : i32
    return %c0_i32, %arg0 : i32, i32
  }
  func.func @transform_4(%arg0: i32) -> (i32, i32) {
    %c0_i32 = arith.constant 0 : i32
    %c0_i32_0 = arith.constant 0 : i32
    return %arg0, %c0_i32 : i32, i32
  }
}

module attributes {stable_mosaic.version = 14 : i64} {
  func.func @_mlp_body(%arg0: i32, %arg1: memref<2048x128xf32, #tpu.memory_space<vmem>>, %arg2: memref<2048x128xf32, #tpu.memory_space<vmem>>, %arg3: memref<32x128xf32, #tpu.memory_space<vmem>>, %arg4: memref<32x128xf32, #tpu.memory_space<vmem>>, %arg5: memref<1x128xf32, #tpu.memory_space<vmem>>, %arg6: memref<128x64xf32, #tpu.memory_space<vmem>>, %arg7: memref<1x64xf32, #tpu.memory_space<vmem>>, %arg8: memref<64x32xf32, #tpu.memory_space<vmem>>, %arg9: memref<1x32xf32, #tpu.memory_space<vmem>>, %arg10: memref<32x1xf32, #tpu.memory_space<vmem>>, %arg11: memref<32x1xf32, #tpu.memory_space<vmem>>, %arg12: memref<2048x1xf32, #tpu.memory_space<vmem>>) attributes {dimension_semantics = [#tpu.dimension_semantics<arbitrary>], iteration_bounds = array<i64: 8>, scalar_prefetch = 0 : i64, scratch_operands = 0 : i64, tpu.core_type = #tpu.core_type<tc>, window_params = [{transform_indices = @transform_0, window_bounds = array<i64: 2048, 128>}, {transform_indices = @transform_1, window_bounds = array<i64: 2048, 128>}, {pipeline_mode = #tpu.pipeline_mode<synchronous>, transform_indices = @transform_2, window_bounds = array<i64: 32, 128>}, {pipeline_mode = #tpu.pipeline_mode<synchronous>, transform_indices = @transform_3, window_bounds = array<i64: 32, 128>}, {pipeline_mode = #tpu.pipeline_mode<synchronous>, transform_indices = @transform_4, window_bounds = array<i64: 1, 128>}, {pipeline_mode = #tpu.pipeline_mode<synchronous>, transform_indices = @transform_5, window_bounds = array<i64: 128, 64>}, {pipeline_mode = #tpu.pipeline_mode<synchronous>, transform_indices = @transform_6, window_bounds = array<i64: 1, 64>}, {pipeline_mode = #tpu.pipeline_mode<synchronous>, transform_indices = @transform_7, window_bounds = array<i64: 64, 32>}, {pipeline_mode = #tpu.pipeline_mode<synchronous>, transform_indices = @transform_8, window_bounds = array<i64: 1, 32>}, {pipeline_mode = #tpu.pipeline_mode<synchronous>, transform_indices = @transform_9, window_bounds = array<i64: 32, 1>}, {pipeline_mode = #tpu.pipeline_mode<synchronous>, transform_indices = @transform_10, window_bounds = array<i64: 32, 1>}, {transform_indices = @transform_11, window_bounds = array<i64: 2048, 1>}]} {
    %get3A = arith.constant 0 : index
    %get3A_0 = arith.constant 0 : index
    %get3A_1 = vector.load %arg1[%get3A, %get3A_0] : memref<2048x128xf32, #tpu.memory_space<vmem>>, vector<2048x32xf32>
    %get3A_2 = arith.constant 0 : index
    %get3A_3 = arith.constant 32 : index
    %get3A_4 = vector.load %arg2[%get3A_2, %get3A_3] : memref<2048x128xf32, #tpu.memory_space<vmem>>, vector<2048x32xf32>
    %get3A_5 = arith.constant 0 : index
    %get3A_6 = arith.constant 64 : index
    %get3A_7 = vector.load %arg1[%get3A_5, %get3A_6] : memref<2048x128xf32, #tpu.memory_space<vmem>>, vector<2048x32xf32>
    %get3A_8 = arith.constant 0 : index
    %get3A_9 = arith.constant 96 : index
    %get3A_10 = vector.load %arg2[%get3A_8, %get3A_9] : memref<2048x128xf32, #tpu.memory_space<vmem>>, vector<2048x32xf32>
    %get3A_11 = arith.constant 0 : index
    %get3A_12 = arith.constant 0 : index
    %get3A_13 = vector.load %arg3[%get3A_11, %get3A_12] : memref<32x128xf32, #tpu.memory_space<vmem>>, vector<32x128xf32>
    %dot_general3A = arith.constant dense<0.000000e+00> : vector<2048x128xf32>
    %dot_general3A_14 = tpu.matmul %get3A_7, %get3A_13, %dot_general3A {dimension_numbers = #tpu.dot_dimension_numbers<[1], [0], [0], [1], [0, 0, 1, 1], [], []>, transpose_lhs_hint = false} : vector<2048x32xf32>, vector<32x128xf32>, vector<2048x128xf32> -> vector<2048x128xf32>
    %get3A_15 = arith.constant 0 : index
    %get3A_16 = arith.constant 0 : index
    %get3A_17 = vector.load %arg4[%get3A_15, %get3A_16] : memref<32x128xf32, #tpu.memory_space<vmem>>, vector<32x128xf32>
    %dot_general3A_18 = arith.constant dense<0.000000e+00> : vector<2048x128xf32>
    %dot_general3A_19 = tpu.matmul %get3A_10, %get3A_17, %dot_general3A_18 {dimension_numbers = #tpu.dot_dimension_numbers<[1], [0], [0], [1], [0, 0, 1, 1], [], []>, transpose_lhs_hint = false} : vector<2048x32xf32>, vector<32x128xf32>, vector<2048x128xf32> -> vector<2048x128xf32>
    %add3A = arith.addf %dot_general3A_14, %dot_general3A_19 : vector<2048x128xf32>
    %get3A_20 = arith.constant 0 : index
    %get3A_21 = arith.constant 0 : index
    %get3A_22 = vector.load %arg5[%get3A_20, %get3A_21] : memref<1x128xf32, #tpu.memory_space<vmem>>, vector<1x128xf32>
    %add3A_23 = vector.broadcast %get3A_22 : vector<1x128xf32> to vector<2048x128xf32>
    %add3A_24 = arith.addf %add3A, %add3A_23 : vector<2048x128xf32>
    %ge3A = arith.constant 0.000000e+00 : f32
    %ge3A_25 = vector.broadcast %ge3A : f32 to vector<2048x128xf32>
    %ge3A_26 = arith.cmpf oge, %add3A_24, %ge3A_25 : vector<2048x128xf32>
    %mul3A = arith.constant 0.00999999977 : f32
    %mul3A_27 = vector.broadcast %mul3A : f32 to vector<2048x128xf32>
    %mul3A_28 = arith.mulf %mul3A_27, %add3A_24 : vector<2048x128xf32>
    %select_n3A = arith.select %ge3A_26, %add3A_24, %mul3A_28 : vector<2048x128xi1>, vector<2048x128xf32>
    %get3A_29 = arith.constant 0 : index
    %get3A_30 = arith.constant 0 : index
    %get3A_31 = vector.load %arg6[%get3A_29, %get3A_30] : memref<128x64xf32, #tpu.memory_space<vmem>>, vector<128x64xf32>
    %dot_general3A_32 = arith.constant dense<0.000000e+00> : vector<2048x64xf32>
    %dot_general3A_33 = tpu.matmul %select_n3A, %get3A_31, %dot_general3A_32 {dimension_numbers = #tpu.dot_dimension_numbers<[1], [0], [0], [1], [0, 0, 1, 1], [], []>, transpose_lhs_hint = false} : vector<2048x128xf32>, vector<128x64xf32>, vector<2048x64xf32> -> vector<2048x64xf32>
    %get3A_34 = arith.constant 0 : index
    %get3A_35 = arith.constant 0 : index
    %get3A_36 = vector.load %arg7[%get3A_34, %get3A_35] : memref<1x64xf32, #tpu.memory_space<vmem>>, vector<1x64xf32>
    %add3A_37 = vector.broadcast %get3A_36 : vector<1x64xf32> to vector<2048x64xf32>
    %add3A_38 = arith.addf %dot_general3A_33, %add3A_37 : vector<2048x64xf32>
    %ge3A_39 = arith.constant 0.000000e+00 : f32
    %ge3A_40 = vector.broadcast %ge3A_39 : f32 to vector<2048x64xf32>
    %ge3A_41 = arith.cmpf oge, %add3A_38, %ge3A_40 : vector<2048x64xf32>
    %mul3A_42 = arith.constant 0.00999999977 : f32
    %mul3A_43 = vector.broadcast %mul3A_42 : f32 to vector<2048x64xf32>
    %mul3A_44 = arith.mulf %mul3A_43, %add3A_38 : vector<2048x64xf32>
    %select_n3A_45 = arith.select %ge3A_41, %add3A_38, %mul3A_44 : vector<2048x64xi1>, vector<2048x64xf32>
    %get3A_46 = arith.constant 0 : index
    %get3A_47 = arith.constant 0 : index
    %get3A_48 = vector.load %arg8[%get3A_46, %get3A_47] : memref<64x32xf32, #tpu.memory_space<vmem>>, vector<64x32xf32>
    %dot_general3A_49 = arith.constant dense<0.000000e+00> : vector<2048x32xf32>
    %dot_general3A_50 = tpu.matmul %select_n3A_45, %get3A_48, %dot_general3A_49 {dimension_numbers = #tpu.dot_dimension_numbers<[1], [0], [0], [1], [0, 0, 1, 1], [], []>, transpose_lhs_hint = false} : vector<2048x64xf32>, vector<64x32xf32>, vector<2048x32xf32> -> vector<2048x32xf32>
    %get3A_51 = arith.constant 0 : index
    %get3A_52 = arith.constant 0 : index
    %get3A_53 = vector.load %arg9[%get3A_51, %get3A_52] : memref<1x32xf32, #tpu.memory_space<vmem>>, vector<1x32xf32>
    %add3A_54 = vector.broadcast %get3A_53 : vector<1x32xf32> to vector<2048x32xf32>
    %add3A_55 = arith.addf %dot_general3A_50, %add3A_54 : vector<2048x32xf32>
    %ge3A_56 = arith.constant 0.000000e+00 : f32
    %ge3A_57 = vector.broadcast %ge3A_56 : f32 to vector<2048x32xf32>
    %ge3A_58 = arith.cmpf oge, %add3A_55, %ge3A_57 : vector<2048x32xf32>
    %mul3A_59 = arith.constant 0.00999999977 : f32
    %mul3A_60 = vector.broadcast %mul3A_59 : f32 to vector<2048x32xf32>
    %mul3A_61 = arith.mulf %mul3A_60, %add3A_55 : vector<2048x32xf32>
    %select_n3A_62 = arith.select %ge3A_58, %add3A_55, %mul3A_61 : vector<2048x32xi1>, vector<2048x32xf32>
    %mul3A_63 = arith.mulf %get3A_1, %get3A_4 : vector<2048x32xf32>
    %get3A_64 = arith.constant 0 : index
    %get3A_65 = arith.constant 0 : index
    %get3A_66 = vector.load %arg10[%get3A_64, %get3A_65] : memref<32x1xf32, #tpu.memory_space<vmem>>, vector<32x1xf32>
    %dot_general3A_67 = arith.constant dense<0.000000e+00> : vector<2048x1xf32>
    %dot_general3A_68 = tpu.matmul %mul3A_63, %get3A_66, %dot_general3A_67 {dimension_numbers = #tpu.dot_dimension_numbers<[1], [0], [0], [1], [0, 0, 1, 1], [], []>, transpose_lhs_hint = false} : vector<2048x32xf32>, vector<32x1xf32>, vector<2048x1xf32> -> vector<2048x1xf32>
    %get3A_69 = arith.constant 0 : index
    %get3A_70 = arith.constant 0 : index
    %get3A_71 = vector.load %arg11[%get3A_69, %get3A_70] : memref<32x1xf32, #tpu.memory_space<vmem>>, vector<32x1xf32>
    %dot_general3A_72 = arith.constant dense<0.000000e+00> : vector<2048x1xf32>
    %dot_general3A_73 = tpu.matmul %select_n3A_62, %get3A_71, %dot_general3A_72 {dimension_numbers = #tpu.dot_dimension_numbers<[1], [0], [0], [1], [0, 0, 1, 1], [], []>, transpose_lhs_hint = false} : vector<2048x32xf32>, vector<32x1xf32>, vector<2048x1xf32> -> vector<2048x1xf32>
    %add3A_74 = arith.addf %dot_general3A_68, %dot_general3A_73 : vector<2048x1xf32>
    %swap3A = arith.constant 0 : index
    %swap3A_75 = arith.constant 0 : index
    %swap3A_76 = vector.load %arg12[%swap3A, %swap3A_75] : memref<2048x1xf32, #tpu.memory_space<vmem>>, vector<2048x1xf32>
    tpu.vector_store %arg12[%swap3A, %swap3A_75], %add3A_74 {strides = array<i32>} : memref<2048x1xf32, #tpu.memory_space<vmem>>, vector<2048x1xf32>,
    return
  }
  func.func @transform_0(%arg0: i32) -> (i32, i32) {
    %c0_i32 = arith.constant 0 : i32
    %c0_i32_0 = arith.constant 0 : i32
    return %arg0, %c0_i32 : i32, i32
  }
  func.func @transform_1(%arg0: i32) -> (i32, i32) {
    %c0_i32 = arith.constant 0 : i32
    %c0_i32_0 = arith.constant 0 : i32
    return %arg0, %c0_i32 : i32, i32
  }
  func.func @transform_2(%arg0: i32) -> (i32, i32) {
    %c0_i32 = arith.constant 0 : i32
    %c0_i32_0 = arith.constant 0 : i32
    %c0_i32_1 = arith.constant 0 : i32
    return %c0_i32, %c0_i32_0 : i32, i32
  }
  func.func @transform_3(%arg0: i32) -> (i32, i32) {
    %c0_i32 = arith.constant 0 : i32
    %c0_i32_0 = arith.constant 0 : i32
    %c0_i32_1 = arith.constant 0 : i32
    return %c0_i32, %c0_i32_0 : i32, i32
  }
  func.func @transform_4(%arg0: i32) -> (i32, i32) {
    %c0_i32 = arith.constant 0 : i32
    %c0_i32_0 = arith.constant 0 : i32
    %c0_i32_1 = arith.constant 0 : i32
    return %c0_i32, %c0_i32_0 : i32, i32
  }
  func.func @transform_5(%arg0: i32) -> (i32, i32) {
    %c0_i32 = arith.constant 0 : i32
    %c0_i32_0 = arith.constant 0 : i32
    %c0_i32_1 = arith.constant 0 : i32
    return %c0_i32, %c0_i32_0 : i32, i32
  }
  func.func @transform_6(%arg0: i32) -> (i32, i32) {
    %c0_i32 = arith.constant 0 : i32
    %c0_i32_0 = arith.constant 0 : i32
    %c0_i32_1 = arith.constant 0 : i32
    return %c0_i32, %c0_i32_0 : i32, i32
  }
  func.func @transform_7(%arg0: i32) -> (i32, i32) {
    %c0_i32 = arith.constant 0 : i32
    %c0_i32_0 = arith.constant 0 : i32
    %c0_i32_1 = arith.constant 0 : i32
    return %c0_i32, %c0_i32_0 : i32, i32
  }
  func.func @transform_8(%arg0: i32) -> (i32, i32) {
    %c0_i32 = arith.constant 0 : i32
    %c0_i32_0 = arith.constant 0 : i32
    %c0_i32_1 = arith.constant 0 : i32
    return %c0_i32, %c0_i32_0 : i32, i32
  }
  func.func @transform_9(%arg0: i32) -> (i32, i32) {
    %c0_i32 = arith.constant 0 : i32
    %c0_i32_0 = arith.constant 0 : i32
    %c0_i32_1 = arith.constant 0 : i32
    return %c0_i32, %c0_i32_0 : i32, i32
  }
  func.func @transform_10(%arg0: i32) -> (i32, i32) {
    %c0_i32 = arith.constant 0 : i32
    %c0_i32_0 = arith.constant 0 : i32
    %c0_i32_1 = arith.constant 0 : i32
    return %c0_i32, %c0_i32_0 : i32, i32
  }
  func.func @transform_11(%arg0: i32) -> (i32, i32) {
    %c0_i32 = arith.constant 0 : i32
    %c0_i32_0 = arith.constant 0 : i32
    return %arg0, %c0_i32 : i32, i32
  }
}

</mosaic_0001>

<sc_bundles>
// kernel: kernel.5.cloned.1.call-start
scs
__scs_entry_jumppad:
0x0: {  	(pc) =	sbr.rel $0x88, $3  }
0x1: {  	(tag) =	ssettag $0x0;
	lr =	simm.s32 $0x1  }
0x2: {  	[smem:$0x3F94] =	sst lr;
	_ =	strace $0xD0000000  }
0x3: {  	_ = 	snop  }
0x4: {  	_ = 	snop  }
0x5: {  	_ = 	snop  }
0x6: {  	_ = 	snop  }
0x7: {  	_ = 	snop  }
__scs_overlays_trampoline_lowered:
0x8: {  	[smem:$0x3FA3] =	sst s0  }
0x9: {  	[smem:$0x3FA4] =	sst s1  }
0xa: {  	[smem:$0x3FA5] =	sst s2  }
0xb: {  	[smem:$0x3FA6] =	sst s3  }
0xc: {  	[smem:$0x3FA7] =	sst s4  }
0xd: {  	[smem:$0x3FA8] =	sst s5  }
0xe: {  	[smem:$0x3FA9] =	sst s6  }
0xf: {  	[smem:$0x3FAA] =	sst s7  }
0x10: {  	[smem:$0x3FAB] =	sst s8  }
0x11: {  	[smem:$0x3FAC] =	sst s9;
	s0 =	simm.s32 @!p0 $0x0  }
0x12: {  	s1 =	sld [smem:$0x3F92];
	s0 =	simm.s32 @p0 $0x1  }
0x13: {  	[smem:$0x3FAD] =	sst s0;
	s0 =	simm.s32 @!p1 $0x0  }
0x14: {  	s2 =	sld [smem:$0x3F91];
	s0 =	simm.s32 @p1 $0x1  }
0x15: {  	[smem:$0x3FAE] =	sst s0;
	s0 =	simm.s32 @!p2 $0x0  }
0x16: {  	s3 =	sld [smem:$0x3FDB];
	s0 =	simm.s32 @p2 $0x1  }
0x17: {  	s4 =	simm.s32 $0x1BF5;
	[smem:$0x3FB0] =	sst s0  }
0x18: {  	s0 =	sld [smem:$0x3F93];
	_ =	swait.ge [sflag:s4], $0x0  }
0x19: {  	s7 =	sld [smem:$0x3F94]  }
0x1a: {  	s8 =	sadd.s32 $0xFFFFE003, lr  }
0x1b: {  	s9 =	sadd.s32 $0xFFFFFEF7, lr;
	s5 =	simm.s32 $0xFFFFFFFF;
	p2 =	slt.u32 s8, $0xFFFFF086  }
0x1c: {  	p1 =	slt.u32 s9, $0xF7A;
	s5 =	simm.s32 @!p2 $0x0  }
0x1d: {  	s5 =	simm.s32 @p1 $0x1;
	p0 =	seq.s32 s7, s2  }
0x1e: {  	s7 =	smul.u32 @!p0 $0xF7A, s2;
	p2 =	seq.s32 @!p0 s5, $0x0  }
0x1f: {  	s9 =	smul.u32 $0xF7A, s1;
	s8 =	simm.s32 @!p0 $0x1BF5;
	p2 =	por !p2, p0  }
0x20: {  	[sflag:s8] =	ssyncset.s32 @!p0 $0xFFFFF086;
	s6 =	sadd.s32 @!p0 s3, s7;
	s7 =	simm.s32 @!p0 $0x108  }
0x21: {  	s3 =	sadd.s32 s3, s9;
	s6 =	sadd.s32 @!p0 $0x88, s6;
	s7 =	simm.s32 @p2 $0x1082  }
0x22: {  	[simem:s7], [sflag:s8] =	dma.local @!p0 [hbm:s6], $0xF7A  }
0x23: {  	s9 =	sor.u32 $0xD0000000, s2;
	s6 =	simm.s32 $0x108;
	_ =	swait.ge @!p0 [sflag:s8], $0x0  }
0x24: {  	s3 =	sadd.s32 $0x88, s3;
	s6 =	simm.s32 @!p1 $0x1082;
	[sflag:s4] =	ssyncset.s32 $0xFFFFF086  }
0x25: {  	[simem:s6], [sflag:s4] =	dma.local [hbm:s3], $0xF7A  }
0x26: {  	[smem:$0x3F94] =	sst s1;
	(tag) =	ssettag s2;
	_ =	strace s9  }
0x27: {  	s1 =	sld [smem:$0x3FA4]  }
0x28: {  	s2 =	sld [smem:$0x3FA5]  }
0x29: {  	s4 =	sld [smem:$0x3FA7]  }
0x2a: {  	p0 =	seq.s32 s5, $0x0;
	s5 =	sld [smem:$0x3FA8]  }
0x2b: {  	s6 =	sld [smem:$0x3FA9]  }
0x2c: {  	s7 =	sld [smem:$0x3FAA]  }
0x2d: {  	s3 =	simm.s32 $0x108;
	s8 =	sld [smem:$0x3FAB]  }
0x2e: {  	s3 =	simm.s32 @!p0 $0x1082;
	s9 =	sld [smem:$0x3FAC]  }
0x2f: {  	lr =	sadd.s32 s0, s3;
	s0 =	sld [smem:$0x3FA3]  }
0x30: {  	s3 =	sld [smem:$0x3FA6]  }
0x31: {  	[smem:$0x3FAF] =	sst s10  }
0x32: {  	s10 =	sld [smem:$0x3FAD];
	_ =	sdelay $0x3  }
0x33: {  	p0 =	seq.s32 s10, $0x1;
	s10 =	sld [smem:$0x3FAF];
	_ =	sdelay $0x3  }
0x34: {  	[smem:$0x3FAF] =	sst s10  }
0x35: {  	s10 =	sld [smem:$0x3FAE];
	_ =	sdelay $0x3  }
0x36: {  	p1 =	seq.s32 s10, $0x1;
	s10 =	sld [smem:$0x3FAF];
	_ =	sdelay $0x3  }
0x37: {  	[smem:$0x3FAF] =	sst s10  }
0x38: {  	s10 =	sld [smem:$0x3FB0]  }
0x39: {  	_ = 	snop;
	(pc) =	sbr.ind lr, $3  }
0x3a: {  	_ = 	snop  }
0x3b: {  	_ = 	snop  }
0x3c: {  	p2 =	seq.s32 s10, $0x1;
	s10 =	sld [smem:$0x3FAF]  }
0x3d: {  	_ =	shalt  }
0x3e: {  	_ =	shalt  }
0x3f: {  	_ =	shalt  }
0x40: {  	_ =	shalt  }
0x41: {  	_ =	shalt  }
0x42: {  	_ =	shalt  }
0x43: {  	_ =	shalt  }
0x44: {  	_ =	shalt  }
0x45: {  	_ =	shalt  }
0x46: {  	_ =	shalt  }
0x47: {  	_ =	shalt  }
0x48: {  	_ =	shalt  }
0x49: {  	_ =	shalt  }
0x4a: {  	_ =	shalt  }
0x4b: {  	_ =	shalt  }
0x4c: {  	_ =	shalt  }
0x4d: {  	_ =	shalt  }
0x4e: {  	_ =	shalt  }
0x4f: {  	_ =	shalt  }
0x50: {  	_ =	shalt  }
0x51: {  	_ =	shalt  }
0x52: {  	_ =	shalt  }
0x53: {  	_ =	shalt  }
0x54: {  	_ =	shalt  }
0x55: {  	_ =	shalt  }
0x56: {  	_ =	shalt  }
0x57: {  	_ =	shalt  }
0x58: {  	_ =	shalt  }
0x59: {  	_ =	shalt  }
0x5a: {  	_ =	shalt  }
0x5b: {  	_ =	shalt  }
0x5c: {  	_ =	shalt  }
0x5d: {  	_ =	shalt  }
0x5e: {  	_ =	shalt  }
0x5f: {  	_ =	shalt  }
0x60: {  	_ =	shalt  }
0x61: {  	_ =	shalt  }
0x62: {  	_ =	shalt  }
0x63: {  	_ =	shalt  }
0x64: {  	_ =	shalt  }
0x65: {  	_ =	shalt  }
0x66: {  	_ =	shalt  }
0x67: {  	_ =	shalt  }
0x68: {  	_ =	shalt  }
0x69: {  	_ =	shalt  }
0x6a: {  	_ =	shalt  }
0x6b: {  	_ =	shalt  }
0x6c: {  	_ =	shalt  }
0x6d: {  	_ =	shalt  }
0x6e: {  	_ =	shalt  }
0x6f: {  	_ =	shalt  }
0x70: {  	_ =	shalt  }
0x71: {  	_ =	shalt  }
0x72: {  	_ =	shalt  }
0x73: {  	_ =	shalt  }
0x74: {  	_ =	shalt  }
0x75: {  	_ =	shalt  }
0x76: {  	_ =	shalt  }
0x77: {  	_ =	shalt  }
0x78: {  	_ =	shalt  }
0x79: {  	_ =	shalt  }
0x7a: {  	_ =	shalt  }
0x7b: {  	_ =	shalt  }
0x7c: {  	_ =	shalt  }
0x7d: {  	_ =	shalt  }
0x7e: {  	_ =	shalt  }
0x7f: {  	_ =	shalt  }
0x80: {  	_ =	shalt  }
0x81: {  	_ =	shalt  }
0x82: {  	_ =	shalt  }
0x83: {  	_ =	shalt  }
0x84: {  	_ =	shalt  }
0x85: {  	_ =	shalt  }
0x86: {  	_ =	shalt  }
0x87: {  	_ =	shalt  }
.Lfunc_end0:
.L_simem_size_0:
called_computation_lowered:
.L_overlay_start_0:
0x88: {  	s2 =	sld [smem:$0x3FD9]  }
0x89: {  	s3 =	sld [smem:$0x3FFE];
	_ =	sdelay $0x1  }
0x8a: {  	s1 =	srdreg.scid  }
0x8b: {  	s0 =	sand.u32 $0x1, s1  }
0x8c: {  	s17 =	sshll.u32 s0, $0xA;
	s2 =	sadd.s32 s3, s2  }
0x8d: {  	s2 =	sadd.s32 s2, s17  }
0x8e: {  	[smem:$0x3FBB] =	sst s2  }
0x8f: {  	_ = 	snop  }
0x90: {  	s2 =	sld [smem:$0x3FC9]  }
0x91: {  	s18 =	sld [smem:$0x3FC8];
	(tm) =	ssettm $0x1  }
0x92: {  	s4 =	sld [smem:$0x3FFB];
	_ =	sdelay $0x3  }
0x93: {  	_ =	strace s4  }
0x94: {  	s4 =	sld [smem:$0x3FFC];
	_ =	sdelay $0x3  }
0x95: {  	_ =	strace s4  }
0x96: {  	s4 =	sld [smem:$0x3FFD];
	_ =	sdelay $0x3  }
0x97: {  	_ =	strace s4  }
0x98: {  	_ =	strace $0x8FFFFFFF  }
0x99: {  	s19 =	sld [smem:$0x3FDB];
	_ =	sdelay $0x1  }
0x9a: {  	s5 =	simm.s32 $_scs_section_size  }
0x9b: {  	s6 =	simm.s32 $_size__tile_overlayer_lowered;
	s7 =	simm.s32 $_tile_overlayer_lowered  }
0x9c: {  	s22 =	simm.s32 $0x1BFF;
	s21 =	sshll.u32 s7, $0x1;
	s4 =	sadd.s32 s5, s19  }
0x9d: {  	s8 =	simm.s32 $0x0;
	s20 =	sshll.u32 s6, $0x1;
	s6 =	sadd.s32 s21, s4  }
0x9e: {  	[timem:s8], [sflag:s22] =	dma.local [hbm:s6], s20  }
0x9f: {  	_ =	swait.ge [sflag:s22], s20  }
0xa0: {  	s5 =	ssub.s32 $0x0, s20;
	[sflag:s22] =	ssyncset.done $0x0  }
0xa1: {  	[sflag:s22] =	ssyncadd.s32 s5;
	_ =	sdelay $0x1  }
0xa2: {  	s23 =	simm.s32 $0x1B8B  }
0xa3: {  	_ =	swait.ge [sflag:s23], $0x1  }
0xa4: {  	[sflag:s23] =	ssyncset.done $0x0  }
0xa5: {  	s25 =	simm.s32 $0x1B8E;
	s24 =	sld [smem:$0x3FFE];
	[sflag:s23] =	ssyncadd.s32 $0xFFFFFFFF  }
0xa6: {  	s26 =	simm.s32 $execute0_lowered;
	[smem:$0x3FD2] =	sst s25  }
0xa7: {  	s6 =	sshll.u32 s26, $0x1;
	_ =	strace $0x80000046;
	[dreg:$0x1] =	wrdreg $0xFFFFFFFF  }
0xa8: {  	s28 =	simm.s32 $_size_execute0_lowered;
	s4 =	sadd.s32 s4, s6;
	[dreg:$0x0] =	wrdreg $0x0  }
0xa9: {  	s6 =	sshll.u32 s28, $0x1;
	[dreg:$0x2] =	wrdreg s4  }
0xaa: {  	[dreg:$0x3] =	wrdreg s6  }
0xab: {  	[dreg:$0x4] =	wrdreg $0xC0  }
0xac: {  	_ =	task [dreg:s8], $0x5FFFF  }
0xad: {  	[dreg:$0x1] =	wrdreg $0xFFFFFFFF  }
0xae: {  	[dreg:$0x0] =	wrdreg $0x60  }
0xaf: {  	[dreg:$0x2] =	wrdreg s24  }
0xb0: {  	[dreg:$0x3] =	wrdreg s2  }
0xb1: {  	[dreg:$0x4] =	wrdreg s18  }
0xb2: {  	[dreg:$0x5] =	wrdreg $0x9  }
0xb3: {  	_ =	task.clear_ibuf [dreg:s8], $0x6FFFF;
	_ =	strace $0x90000046  }
0xb4: {  	s29 =	simm.s32 $0x9;
	_ =	strace $0x80000048  }
0xb5: {  	_ =	swait.ge [sflag:s29], $0x1  }
0xb6: {  	[sflag:s29] =	ssyncadd.s32 $0xFFFFFFFF  }
0xb7: {  	_ =	strace $0x90000048  }
0xb8: {  	_ =	sfence  }
0xb9: {  	s30 =	sld [smem:$0x0];
	_ =	sdelay $0x2  }
0xba: {  	s31 =	sshll.u32 s1, $0xD;
	s1 =	sshrl.u32 s1, $0x2  }
0xbb: {  	s3 =	sand.u32 $0x4000, s31;
	s1 =	sadd.s32 s1, s30  }
0xbc: {  	s0 =	sor.u32 s3, s0;
	s1 =	sshll.u32 s1, $0x11  }
0xbd: {  	s0 =	sor.u32 s1, s0  }
0xbe: {  	s0 =	sadd.s32 $0x8F2B, s0  }
0xbf: {  	[sflag:s0] =	ssyncadd.remote.s32 $0x1  }
0xc0: {  	_ =	sfence.sel $0xFFFF  }
0xc1: {  	[dreg:$0x0] =	wrdreg $0xFFFFFFFF;
	(pc) =	sbr.abs _section_cstart, $3  }
0xc2: {  	[dreg:$0x1] =	wrdreg $0xFFFFFFFF  }
0xc3: {  	_ =	task.clear_ibuf [dreg:s8], $0x2FFFF;
	_ =	strace $0x9FFFFFFF  }
0xc4: {  	(tm) =	ssettm $0x7FFFFFFF  }
0xc5: {  	_ =	shalt  }
tec
execute0_lowered:
.L_overlay_start_1:
0x0: {  	(tag) =	ssettag $0x1  }
0x1: {  	s8 =	rddreg [dreg:$0x0];
	s1 =	srdreg.scid  }
0x2: {  	s3 =	rddreg [dreg:$0x1];
	s0 =	stileid.u32;
	s10 =	sand.u32 $0x1, s1  }
0x3: {  	s9 =	rddreg [dreg:$0x2];
	s4 =	sshll.u32 s0, $0xA;
	s5 =	sshll.u32 s10, $0x9  }
0x4: {  	s2 =	simm.s32 $0x0;
	s1 =	rddreg [dreg:$0x3];
	s11 =	sor.u32 s5, s4  }
0x5: {  	[smem:$0x7FF] =	sst s2;
	s12 =	sshrl.u32 s11, $0x3  }
0x6: {  	_ =	strace $0x80000047;
	s4 =	sadd.s32 s3, s12;
	s3 =	simm.s32 $0x2  }
0x7: {  	[tilespmem:s2], [sflag:$0x2] =	stream.linear.gather [hbm4b:s4+s2], $0x200, $0x38;
	[tilespmem:$0x10200] =	vst v63  }
0x8: {  	_ =	swait.ge [sflag:s3], $0x200  }
0x9: {  	s6 =	simm.s32 $0x200;
	[sflag:s3] =	ssyncset.done $0x0  }
0xa: {  	s7 =	simm.s32 $0x1;
	s5 =	sadd.s32 $0x1C00, s8;
	[sflag:s3] =	ssyncadd.s32 $0xFFFFFE00  }
0xb: {  	[tilespmem:s6], [sflag:$0x1] =	stream.indirect.gather [hbm4b:s5+s6], $0x80, s2, s6, $0xb8;
	[tilespmem:$0x10200] =	vst v63  }
0xc: {  	s11 =	sshll.u32 s11, $0x4;
	_ =	swait.ge [sflag:s7], $0x10000  }
0xd: {  	s11 =	sadd.s32 s11, s8;
	[sflag:s7] =	ssyncset.done $0x0  }
0xe: {  	s8 =	sadd.s32 $0xF44200, s11;
	[sflag:s7] =	ssyncadd.s32 $0xFFFF0000  }
0xf: {  	[hbm4b:s8+s2] =	stream.linear.scatter [tilespmem:s6], [sflag:$0x2], $0x10000, $0x38;
	[tilespmem:$0x10200] =	vst v63  }
0x10: {  	_ =	swait.ge [sflag:s3], $0x10000  }
0x11: {  	[sflag:s3] =	ssyncset.done $0x0  }
0x12: {  	s10 =	ssub.s32 $0x2, s10;
	s9 =	sadd.s32 s9, s12;
	[sflag:s3] =	ssyncadd.s32 $0xFFFF0000  }
0x13: {  	[tilespmem:s2], [sflag:$0x2] =	stream.linear.gather [hbm4b:s9+s2], $0x200, $0x38;
	[tilespmem:$0x10200] =	vst v63  }
0x14: {  	s30 =	sshrl.u32 s10, $0x1;
	_ =	swait.ge [sflag:s3], $0x200  }
0x15: {  	s12 =	ssub.s32 s10, s30;
	[sflag:s3] =	ssyncset.done $0x0  }
0x16: {  	s31 =	smax.u32 s12, $0x1;
	[sflag:s3] =	ssyncadd.s32 $0xFFFFFE00  }
0x17: {  	[tilespmem:s6], [sflag:$0x1] =	stream.indirect.gather [hbm4b:s5+s6], $0x80, s2, s6, $0xb8;
	[tilespmem:$0x10200] =	vst v63  }
0x18: {  	p0 =	sne.s32 s31, $0x1;
	_ =	swait.ge [sflag:s7], $0x10000  }
.Ltmp0:
0x19: {  	[sflag:s7] =	ssyncset.done $0x0;
	(pc) =	sbr.rel @!p0 .LBB2_2-.Ltmp0, $4  }
0x1a: {  	s10 =	sadd.s32 $0xF84200, s11;
	[sflag:s7] =	ssyncadd.s32 $0xFFFF0000  }
0x1b: {  	[hbm4b:s10+s2] =	stream.linear.scatter [tilespmem:s6], [sflag:$0x2], $0x10000, $0x38;
	[tilespmem:$0x10200] =	vst v63  }
0x1c: {  	_ =	swait.ge [sflag:s3], $0x10000  }
0x1d: {  	s11 =	sadd.s32 $0xFFFFFFFF, s31;
	[sflag:s3] =	ssyncset.done $0x0  }
.LBB2_1:
0x1e: {  	p0 =	sne.s32 s11, $0x1;
	s11 =	sadd.s32 $0xFFFFFFFF, s11;
	[sflag:s3] =	ssyncadd.s32 $0xFFFF0000  }
0x1f: {  	[tilespmem:s2], [sflag:$0x2] =	stream.linear.gather [hbm4b:s4+s2], $0x200, $0x38;
	[tilespmem:$0x10200] =	vst v63  }
0x20: {  	_ =	swait.ge [sflag:s3], $0x200  }
0x21: {  	[sflag:s3] =	ssyncset.done $0x0  }
0x22: {  	[sflag:s3] =	ssyncadd.s32 $0xFFFFFE00  }
0x23: {  	[tilespmem:s6], [sflag:$0x1] =	stream.indirect.gather [hbm4b:s5+s6], $0x80, s2, s6, $0xb8;
	[tilespmem:$0x10200] =	vst v63  }
0x24: {  	_ =	swait.ge [sflag:s7], $0x10000  }
0x25: {  	[sflag:s7] =	ssyncset.done $0x0  }
0x26: {  	[sflag:s7] =	ssyncadd.s32 $0xFFFF0000  }
0x27: {  	[hbm4b:s8+s2] =	stream.linear.scatter [tilespmem:s6], [sflag:$0x2], $0x10000, $0x38;
	[tilespmem:$0x10200] =	vst v63  }
0x28: {  	_ =	swait.ge [sflag:s3], $0x10000  }
0x29: {  	[sflag:s3] =	ssyncset.done $0x0  }
0x2a: {  	[sflag:s3] =	ssyncadd.s32 $0xFFFF0000  }
0x2b: {  	[tilespmem:s2], [sflag:$0x2] =	stream.linear.gather [hbm4b:s9+s2], $0x200, $0x38;
	[tilespmem:$0x10200] =	vst v63  }
0x2c: {  	_ =	swait.ge [sflag:s3], $0x200  }
0x2d: {  	[sflag:s3] =	ssyncset.done $0x0  }
0x2e: {  	[sflag:s3] =	ssyncadd.s32 $0xFFFFFE00  }
0x2f: {  	[tilespmem:s6], [sflag:$0x1] =	stream.indirect.gather [hbm4b:s5+s6], $0x80, s2, s6, $0xb8;
	[tilespmem:$0x10200] =	vst v63  }
0x30: {  	_ =	swait.ge [sflag:s7], $0x10000  }
.Ltmp1:
0x31: {  	[sflag:s7] =	ssyncset.done $0x0;
	(pc) =	sbr.rel @p0 .LBB2_1-.Ltmp1, $4  }
0x32: {  	[sflag:s7] =	ssyncadd.s32 $0xFFFF0000  }
0x33: {  	[hbm4b:s10+s2] =	stream.linear.scatter [tilespmem:s6], [sflag:$0x2], $0x10000, $0x38;
	[tilespmem:$0x10200] =	vst v63  }
0x34: {  	_ =	swait.ge [sflag:s3], $0x10000  }
0x35: {  	[sflag:s3] =	ssyncset.done $0x0  }
.LBB2_2:
0x36: {  	[sflag:s3] =	ssyncadd.s32 $0xFFFF0000  }
0x37: {  	_ =	sfence.sel $0x180000  }
0x38: {  	[bflag:$0x0] =	sbarrier.arrive $0xFFFF  }
0x39: {  	p0 =	sne.s32 s0, $0x0;
	_ =	strace $0x90000047  }
0x3a: {  	s0 =	sadd.s32 @!p0 $0x100000, s1;
	[bflag:$0x2] =	sbarrier.arrive $0xFFFF  }
0x3b: {  	[sflag:s0] =	ssyncadd.tile.s32 @!p0 $0x1;
	_ =	shalt  }
.Lfunc_end2:
_tile_overlayer_lowered:
.L_overlay_start_2:
0x3c: {  	(tag) =	ssettag $0x2  }
0x3d: {  	s0 =	rddreg [dreg:$0x0];
	s2 =	stileid.u32  }
0x3e: {  	s1 =	rddreg [dreg:$0x1];
	p0 =	sne.s32 s2, $0x0  }
0x3f: {  	s3 =	rddreg [dreg:$0x2];
	[bflag:$0x3] =	sbarrier.arrive $0xFFFF;
	s2 =	simm.s32 @!p0 $0x1C02  }
0x40: {  	[timem:s3], [sflag:s2] =	dma.local @!p0 [hbm:s0], s1  }
0x41: {  	s0 =	simm.s32 @!p0 $0x2  }
0x42: {  	_ =	swait.ge @!p0 [sflag:s0], s1  }
0x43: {  	s1 =	ssub.s32 @!p0 $0x0, s1;
	[sflag:s0] =	ssyncset.done @!p0 $0x0  }
0x44: {  	[sflag:s0] =	ssyncadd.s32 @!p0 s1  }
0x45: {  	[bflag:$0x3] =	sbarrier.arrive $0xFFFF  }
0x46: {  	_ =	shalt  }

</sc_bundles>
